<compile_context>
chip_gen: v7x
topology: tpu7x:2x2x1
jax: 0.10.2.dev20260603
libtpu: 0.0.44.dev20260713+nightly
codegen_flags: <defaults>
</compile_context>

<pallas_src>
import functools

import jax
import jax.numpy as jnp
from jax import lax
from jax.experimental import pallas as pl
from jax.experimental.pallas import tpu as pltpu
from jax.experimental.pallas import tpu_sc as plsc

_CHUNK = 160
_NB = 4
_NW = 32


def kernel(x, weight):
    batch, pos = x.shape
    vocab, embed = weight.shape
    n = batch * pos
    b_per_w = n // _NW
    num_chunks = b_per_w // _CHUNK
    idx = x.reshape(n).astype(jnp.int32)

    mesh = plsc.VectorSubcoreMesh(core_axis_name="c", subcore_axis_name="s")

    @functools.partial(
        pl.kernel,
        out_type=jax.ShapeDtypeStruct((n, embed), weight.dtype),
        mesh=mesh,
        scratch_types=(
            [pltpu.VMEM((_CHUNK,), jnp.int32) for _ in range(_NB)]
            + [pltpu.VMEM((_CHUNK, embed), jnp.float32) for _ in range(_NB)]
            + [pltpu.SemaphoreType.DMA for _ in range(2 * _NB)]
        ),
    )
    def gather_kernel(w_hbm, i_hbm, o_hbm, *scratch):
        idxb = scratch[:_NB]
        rows = scratch[_NB:2 * _NB]
        gsem = scratch[2 * _NB:3 * _NB]
        ssem = scratch[3 * _NB:4 * _NB]

        wid = lax.axis_index("s") * 2 + lax.axis_index("c")
        base = wid * b_per_w

        def idx_load(j, c):
            pltpu.sync_copy(i_hbm.at[pl.ds(base + c * _CHUNK, _CHUNK)], idxb[j])

        def gather_start(j):
            pltpu.async_copy(w_hbm.at[idxb[j]], rows[j], gsem[j])

        def gather_wait(j):
            pltpu.make_async_copy(w_hbm.at[idxb[j]], rows[j], gsem[j]).wait()

        def store_start(j, c):
            pltpu.async_copy(rows[j], o_hbm.at[pl.ds(base + c * _CHUNK, _CHUNK)],
                             ssem[j])

        def store_wait(j):
            pltpu.make_async_copy(rows[j], o_hbm.at[pl.ds(base, _CHUNK)],
                                  ssem[j]).wait()

        idx_load(0, 0)
        gather_start(0)
        idx_load(1, 1)
        gather_start(1)

        last_full = num_chunks // _NB - 1

        @pl.loop(0, num_chunks // _NB)
        def _(p):
            cc = _NB * p
            for r in range(_NB):
                c = cc + r
                nxt = (r + 2) % _NB

                gather_wait(r)
                store_start(r, c)

                if r < 2:
                    @pl.when(p > 0)
                    def _():
                        store_wait(nxt)

                    idx_load(nxt, c + 2)
                    gather_start(nxt)
                else:
                    store_wait(nxt)

                    @pl.when(p < last_full)
                    def _():
                        idx_load(nxt, c + 2)
                        gather_start(nxt)

        store_wait(2)
        store_wait(3)

    out = gather_kernel(weight, idx)
    return out.reshape(batch, pos, embed)

# --- scband reference (transcript-rebuilt; emitter-appended) ---
"""Pipeline reference for scband-embedding-layer-65841848648377 (READ-ONLY COPY).

The authoritative reference and input builder live on the scoring server;
editing this copy changes nothing except your own understanding.
"""

import jax, jax.numpy as jnp
import numpy as np

VOCAB = 100000
EMBED = 128
BATCH = 4096
POS = 200


def setup_inputs(seed: int = 0) -> dict:
    key = jax.random.key(seed)
    k_idx, k_w = jax.random.split(key)
    x = jax.random.randint(k_idx, (BATCH, POS), 0, VOCAB, dtype=jnp.int64 if jax.config.read('jax_enable_x64') else jnp.int32)
    weight = jax.random.normal(k_w, (VOCAB, EMBED), dtype=jnp.float32) / (EMBED ** 0.5)
    return {"x": x, "weight": weight}


def reference(x, weight):
    # Faithful translation of: return self.weight[x]
    return jnp.take(weight, x, axis=0)

if __name__ == "__main__":
    import jax
    _d = setup_inputs()
    print(jax.jit(kernel)(*tuple(_d.values())))

</pallas_src>

<mosaic_0001>
#map = affine_map<(d0, d1) -> (0, 0)>
#map1 = affine_map<(d0, d1) -> (0)>
module attributes {stable_mosaic.version = 14 : i64} {
  func.func @gather_kernel(%arg0: i32, %arg1: i32, %arg2: memref<100000x128xf32, #tpu.memory_space<hbm>>, %arg3: memref<819200xi32, #tpu.memory_space<hbm>>, %arg4: memref<819200x128xf32, #tpu.memory_space<hbm>>, %arg5: memref<160xi32, #tpu.memory_space<vmem>>, %arg6: memref<160xi32, #tpu.memory_space<vmem>>, %arg7: memref<160xi32, #tpu.memory_space<vmem>>, %arg8: memref<160xi32, #tpu.memory_space<vmem>>, %arg9: memref<160x128xf32, #tpu.memory_space<vmem>>, %arg10: memref<160x128xf32, #tpu.memory_space<vmem>>, %arg11: memref<160x128xf32, #tpu.memory_space<vmem>>, %arg12: memref<160x128xf32, #tpu.memory_space<vmem>>, %arg13: memref<!tpu.dma_semaphore, #tpu.memory_space<semaphore_mem>>, %arg14: memref<!tpu.dma_semaphore, #tpu.memory_space<semaphore_mem>>, %arg15: memref<!tpu.dma_semaphore, #tpu.memory_space<semaphore_mem>>, %arg16: memref<!tpu.dma_semaphore, #tpu.memory_space<semaphore_mem>>, %arg17: memref<!tpu.dma_semaphore, #tpu.memory_space<semaphore_mem>>, %arg18: memref<!tpu.dma_semaphore, #tpu.memory_space<semaphore_mem>>, %arg19: memref<!tpu.dma_semaphore, #tpu.memory_space<semaphore_mem>>, %arg20: memref<!tpu.dma_semaphore, #tpu.memory_space<semaphore_mem>>) attributes {dimension_semantics = [#tpu.dimension_semantics<core_parallel>, #tpu.dimension_semantics<subcore_parallel>], iteration_bounds = array<i64: 2, 16>, scalar_prefetch = 0 : i64, scratch_operands = 16 : i64, tpu.core_type = #tpu.core_type<sc_vector_subcore>, window_params = [{transform_indices = #map}, {transform_indices = #map1}, {transform_indices = #map}]} {
    %mul3A = arith.constant 2 : i32
    %mul3A_0 = arith.muli %arg1, %mul3A : i32
    %add3A = arith.addi %mul3A_0, %arg0 : i32
    %mul3A_1 = arith.constant 25600 : i32
    %mul3A_2 = arith.muli %add3A, %mul3A_1 : i32
    %add3A_3 = arith.constant 0 : i32
    %add3A_4 = arith.addi %mul3A_2, %add3A_3 : i32
    "tpu.region"() ({
      %run_scoped3A = tpu.sem_alloc : memref<!tpu.dma_semaphore, #tpu.memory_space<semaphore_mem>>
      %dma_start3A_23 = tpu.memref_slice %arg3[%add3A_4] : memref<819200xi32, #tpu.memory_space<hbm>> -> memref<160xi32, #tpu.memory_space<hbm>>
      %dma_start3A_24 = tpu.memref_slice %arg3[%add3A_4] : memref<819200xi32, #tpu.memory_space<hbm>> -> memref<160xi32, #tpu.memory_space<hbm>>
      tpu.enqueue_dma source(%dma_start3A_24 : memref<160xi32, #tpu.memory_space<hbm>>) target(%arg5 : memref<160xi32, #tpu.memory_space<vmem>>) target_semaphore(%run_scoped3A : memref<!tpu.dma_semaphore, #tpu.memory_space<semaphore_mem>>)
      %dma_wait3A_25 = tpu.memref_slice %arg3[%add3A_4] : memref<819200xi32, #tpu.memory_space<hbm>> -> memref<160xi32, #tpu.memory_space<hbm>>
      %dma_wait3A_26 = tpu.memref_slice %arg3[%add3A_4] : memref<819200xi32, #tpu.memory_space<hbm>> -> memref<160xi32, #tpu.memory_space<hbm>>
      tpu.wait_dma2 semaphore(%run_scoped3A : memref<!tpu.dma_semaphore, #tpu.memory_space<semaphore_mem>>) src(%dma_wait3A_26 : memref<160xi32, #tpu.memory_space<hbm>>) dst(%arg5 : memref<160xi32, #tpu.memory_space<vmem>>)
      tpu.yield
    }) : () -> ()
    %dma_start3A = arith.constant 0 : i32
    %dma_start3A_5 = arith.constant 0 : i32
    %dma_start3A_6 = tpu.memref_slice %arg2[%dma_start3A, %dma_start3A_5] : memref<100000x128xf32, #tpu.memory_space<hbm>> -> memref<100000x128xf32, #tpu.memory_space<hbm>>
    tpu.enqueue_indirect_dma source(%dma_start3A_6 : memref<100000x128xf32, #tpu.memory_space<hbm>>) target(%arg9 : memref<160x128xf32, #tpu.memory_space<vmem>>) offsets(%arg5 : memref<160xi32, #tpu.memory_space<vmem>>) semaphore(%arg13 : memref<!tpu.dma_semaphore, #tpu.memory_space<semaphore_mem>>)
    %add3A_7 = arith.constant 160 : i32
    %add3A_8 = arith.addi %mul3A_2, %add3A_7 : i32
    "tpu.region"() ({
      %run_scoped3A = tpu.sem_alloc : memref<!tpu.dma_semaphore, #tpu.memory_space<semaphore_mem>>
      %dma_start3A_23 = tpu.memref_slice %arg3[%add3A_8] : memref<819200xi32, #tpu.memory_space<hbm>> -> memref<160xi32, #tpu.memory_space<hbm>>
      %dma_start3A_24 = tpu.memref_slice %arg3[%add3A_8] : memref<819200xi32, #tpu.memory_space<hbm>> -> memref<160xi32, #tpu.memory_space<hbm>>
      tpu.enqueue_dma source(%dma_start3A_24 : memref<160xi32, #tpu.memory_space<hbm>>) target(%arg6 : memref<160xi32, #tpu.memory_space<vmem>>) target_semaphore(%run_scoped3A : memref<!tpu.dma_semaphore, #tpu.memory_space<semaphore_mem>>)
      %dma_wait3A_25 = tpu.memref_slice %arg3[%add3A_8] : memref<819200xi32, #tpu.memory_space<hbm>> -> memref<160xi32, #tpu.memory_space<hbm>>
      %dma_wait3A_26 = tpu.memref_slice %arg3[%add3A_8] : memref<819200xi32, #tpu.memory_space<hbm>> -> memref<160xi32, #tpu.memory_space<hbm>>
      tpu.wait_dma2 semaphore(%run_scoped3A : memref<!tpu.dma_semaphore, #tpu.memory_space<semaphore_mem>>) src(%dma_wait3A_26 : memref<160xi32, #tpu.memory_space<hbm>>) dst(%arg6 : memref<160xi32, #tpu.memory_space<vmem>>)
      tpu.yield
    }) : () -> ()
    %dma_start3A_9 = arith.constant 0 : i32
    %dma_start3A_10 = arith.constant 0 : i32
    %dma_start3A_11 = tpu.memref_slice %arg2[%dma_start3A_9, %dma_start3A_10] : memref<100000x128xf32, #tpu.memory_space<hbm>> -> memref<100000x128xf32, #tpu.memory_space<hbm>>
    tpu.enqueue_indirect_dma source(%dma_start3A_11 : memref<100000x128xf32, #tpu.memory_space<hbm>>) target(%arg10 : memref<160x128xf32, #tpu.memory_space<vmem>>) offsets(%arg6 : memref<160xi32, #tpu.memory_space<vmem>>) semaphore(%arg14 : memref<!tpu.dma_semaphore, #tpu.memory_space<semaphore_mem>>)
    %scan3A = arith.constant 0 : i32
    %scan3A_12 = arith.constant 40 : i32
    %scan3A_13 = arith.addi %scan3A, %scan3A_12 : i32
    %scan3A_14 = arith.constant 1 : i32
    scf.for %scan3A_23 = %scan3A to %scan3A_13 step %scan3A_14  : i32 {
      %mul3A_24 = arith.constant 1 : i32
      %mul3A_25 = arith.muli %scan3A_23, %mul3A_24 : i32
      %add3A_26 = arith.constant 0 : i32
      %add3A_27 = arith.addi %add3A_26, %mul3A_25 : i32
      %mul3A_28 = arith.constant 4 : i32
      %mul3A_29 = arith.muli %mul3A_28, %add3A_27 : i32
      %add3A_30 = arith.constant 0 : i32
      %add3A_31 = arith.addi %mul3A_29, %add3A_30 : i32
      %dma_wait3A_32 = arith.constant 0 : i32
      %dma_wait3A_33 = arith.constant 0 : i32
      %dma_wait3A_34 = tpu.memref_slice %arg2[%dma_wait3A_32, %dma_wait3A_33] : memref<100000x128xf32, #tpu.memory_space<hbm>> -> memref<100000x128xf32, #tpu.memory_space<hbm>>
      tpu.wait_indirect_dma semaphore(%arg13 : memref<!tpu.dma_semaphore, #tpu.memory_space<semaphore_mem>>) src(%dma_wait3A_34 : memref<100000x128xf32, #tpu.memory_space<hbm>>) dst(%arg9 : memref<160x128xf32, #tpu.memory_space<vmem>>)
      %mul3A_35 = arith.constant 160 : i32
      %mul3A_36 = arith.muli %add3A_31, %mul3A_35 : i32
      %add3A_37 = arith.addi %mul3A_2, %mul3A_36 : i32
      %dma_start3A_38 = arith.constant 0 : i32
      %dma_start3A_39 = tpu.memref_slice %arg4[%add3A_37, %dma_start3A_38] : memref<819200x128xf32, #tpu.memory_space<hbm>> -> memref<160x128xf32, #tpu.memory_space<hbm>>
      %dma_start3A_40 = arith.constant 0 : i32
      %dma_start3A_41 = tpu.memref_slice %arg4[%add3A_37, %dma_start3A_40] : memref<819200x128xf32, #tpu.memory_space<hbm>> -> memref<160x128xf32, #tpu.memory_space<hbm>>
      tpu.enqueue_dma source(%arg9 : memref<160x128xf32, #tpu.memory_space<vmem>>) target(%dma_start3A_41 : memref<160x128xf32, #tpu.memory_space<hbm>>) target_semaphore(%arg17 : memref<!tpu.dma_semaphore, #tpu.memory_space<semaphore_mem>>)
      %gt3A = arith.constant 0 : i32
      %gt3A_42 = arith.cmpi sgt, %add3A_27, %gt3A : i32
      %convert_element_type3A = arith.extui %gt3A_42 : i1 to i32
      %cond3A = arith.constant 0 : i32
      %cond3A_43 = arith.cmpi ne, %convert_element_type3A, %cond3A : i32
      scf.if %cond3A_43 {
        %dma_wait3A_118 = arith.constant 0 : i32
        %dma_wait3A_119 = tpu.memref_slice %arg4[%mul3A_2, %dma_wait3A_118] : memref<819200x128xf32, #tpu.memory_space<hbm>> -> memref<160x128xf32, #tpu.memory_space<hbm>>
        %dma_wait3A_120 = arith.constant 0 : i32
        %dma_wait3A_121 = tpu.memref_slice %arg4[%mul3A_2, %dma_wait3A_120] : memref<819200x128xf32, #tpu.memory_space<hbm>> -> memref<160x128xf32, #tpu.memory_space<hbm>>
        tpu.wait_dma2 semaphore(%arg19 : memref<!tpu.dma_semaphore, #tpu.memory_space<semaphore_mem>>) src(%arg11 : memref<160x128xf32, #tpu.memory_space<vmem>>) dst(%dma_wait3A_121 : memref<160x128xf32, #tpu.memory_space<hbm>>)
      } else {
      }
      %add3A_44 = arith.constant 2 : i32
      %add3A_45 = arith.addi %add3A_31, %add3A_44 : i32
      %mul3A_46 = arith.constant 160 : i32
      %mul3A_47 = arith.muli %add3A_45, %mul3A_46 : i32
      %add3A_48 = arith.addi %mul3A_2, %mul3A_47 : i32
      "tpu.region"() ({
        %run_scoped3A = tpu.sem_alloc : memref<!tpu.dma_semaphore, #tpu.memory_space<semaphore_mem>>
        %dma_start3A_118 = tpu.memref_slice %arg3[%add3A_48] : memref<819200xi32, #tpu.memory_space<hbm>> -> memref<160xi32, #tpu.memory_space<hbm>>
        %dma_start3A_119 = tpu.memref_slice %arg3[%add3A_48] : memref<819200xi32, #tpu.memory_space<hbm>> -> memref<160xi32, #tpu.memory_space<hbm>>
        tpu.enqueue_dma source(%dma_start3A_119 : memref<160xi32, #tpu.memory_space<hbm>>) target(%arg7 : memref<160xi32, #tpu.memory_space<vmem>>) target_semaphore(%run_scoped3A : memref<!tpu.dma_semaphore, #tpu.memory_space<semaphore_mem>>)
        %dma_wait3A_120 = tpu.memref_slice %arg3[%add3A_48] : memref<819200xi32, #tpu.memory_space<hbm>> -> memref<160xi32, #tpu.memory_space<hbm>>
        %dma_wait3A_121 = tpu.memref_slice %arg3[%add3A_48] : memref<819200xi32, #tpu.memory_space<hbm>> -> memref<160xi32, #tpu.memory_space<hbm>>
        tpu.wait_dma2 semaphore(%run_scoped3A : memref<!tpu.dma_semaphore, #tpu.memory_space<semaphore_mem>>) src(%dma_wait3A_121 : memref<160xi32, #tpu.memory_space<hbm>>) dst(%arg7 : memref<160xi32, #tpu.memory_space<vmem>>)
        tpu.yield
      }) : () -> ()
      %dma_start3A_49 = arith.constant 0 : i32
      %dma_start3A_50 = arith.constant 0 : i32
      %dma_start3A_51 = tpu.memref_slice %arg2[%dma_start3A_49, %dma_start3A_50] : memref<100000x128xf32, #tpu.memory_space<hbm>> -> memref<100000x128xf32, #tpu.memory_space<hbm>>
      tpu.enqueue_indirect_dma source(%dma_start3A_51 : memref<100000x128xf32, #tpu.memory_space<hbm>>) target(%arg11 : memref<160x128xf32, #tpu.memory_space<vmem>>) offsets(%arg7 : memref<160xi32, #tpu.memory_space<vmem>>) semaphore(%arg15 : memref<!tpu.dma_semaphore, #tpu.memory_space<semaphore_mem>>)
      %add3A_52 = arith.constant 1 : i32
      %add3A_53 = arith.addi %mul3A_29, %add3A_52 : i32
      %dma_wait3A_54 = arith.constant 0 : i32
      %dma_wait3A_55 = arith.constant 0 : i32
      %dma_wait3A_56 = tpu.memref_slice %arg2[%dma_wait3A_54, %dma_wait3A_55] : memref<100000x128xf32, #tpu.memory_space<hbm>> -> memref<100000x128xf32, #tpu.memory_space<hbm>>
      tpu.wait_indirect_dma semaphore(%arg14 : memref<!tpu.dma_semaphore, #tpu.memory_space<semaphore_mem>>) src(%dma_wait3A_56 : memref<100000x128xf32, #tpu.memory_space<hbm>>) dst(%arg10 : memref<160x128xf32, #tpu.memory_space<vmem>>)
      %mul3A_57 = arith.constant 160 : i32
      %mul3A_58 = arith.muli %add3A_53, %mul3A_57 : i32
      %add3A_59 = arith.addi %mul3A_2, %mul3A_58 : i32
      %dma_start3A_60 = arith.constant 0 : i32
      %dma_start3A_61 = tpu.memref_slice %arg4[%add3A_59, %dma_start3A_60] : memref<819200x128xf32, #tpu.memory_space<hbm>> -> memref<160x128xf32, #tpu.memory_space<hbm>>
      %dma_start3A_62 = arith.constant 0 : i32
      %dma_start3A_63 = tpu.memref_slice %arg4[%add3A_59, %dma_start3A_62] : memref<819200x128xf32, #tpu.memory_space<hbm>> -> memref<160x128xf32, #tpu.memory_space<hbm>>
      tpu.enqueue_dma source(%arg10 : memref<160x128xf32, #tpu.memory_space<vmem>>) target(%dma_start3A_63 : memref<160x128xf32, #tpu.memory_space<hbm>>) target_semaphore(%arg18 : memref<!tpu.dma_semaphore, #tpu.memory_space<semaphore_mem>>)
      %gt3A_64 = arith.constant 0 : i32
      %gt3A_65 = arith.cmpi sgt, %add3A_27, %gt3A_64 : i32
      %convert_element_type3A_66 = arith.extui %gt3A_65 : i1 to i32
      %cond3A_67 = arith.constant 0 : i32
      %cond3A_68 = arith.cmpi ne, %convert_element_type3A_66, %cond3A_67 : i32
      scf.if %cond3A_68 {
        %dma_wait3A_118 = arith.constant 0 : i32
        %dma_wait3A_119 = tpu.memref_slice %arg4[%mul3A_2, %dma_wait3A_118] : memref<819200x128xf32, #tpu.memory_space<hbm>> -> memref<160x128xf32, #tpu.memory_space<hbm>>
        %dma_wait3A_120 = arith.constant 0 : i32
        %dma_wait3A_121 = tpu.memref_slice %arg4[%mul3A_2, %dma_wait3A_120] : memref<819200x128xf32, #tpu.memory_space<hbm>> -> memref<160x128xf32, #tpu.memory_space<hbm>>
        tpu.wait_dma2 semaphore(%arg20 : memref<!tpu.dma_semaphore, #tpu.memory_space<semaphore_mem>>) src(%arg12 : memref<160x128xf32, #tpu.memory_space<vmem>>) dst(%dma_wait3A_121 : memref<160x128xf32, #tpu.memory_space<hbm>>)
      } else {
      }
      %add3A_69 = arith.constant 2 : i32
      %add3A_70 = arith.addi %add3A_53, %add3A_69 : i32
      %mul3A_71 = arith.constant 160 : i32
      %mul3A_72 = arith.muli %add3A_70, %mul3A_71 : i32
      %add3A_73 = arith.addi %mul3A_2, %mul3A_72 : i32
      "tpu.region"() ({
        %run_scoped3A = tpu.sem_alloc : memref<!tpu.dma_semaphore, #tpu.memory_space<semaphore_mem>>
        %dma_start3A_118 = tpu.memref_slice %arg3[%add3A_73] : memref<819200xi32, #tpu.memory_space<hbm>> -> memref<160xi32, #tpu.memory_space<hbm>>
        %dma_start3A_119 = tpu.memref_slice %arg3[%add3A_73] : memref<819200xi32, #tpu.memory_space<hbm>> -> memref<160xi32, #tpu.memory_space<hbm>>
        tpu.enqueue_dma source(%dma_start3A_119 : memref<160xi32, #tpu.memory_space<hbm>>) target(%arg8 : memref<160xi32, #tpu.memory_space<vmem>>) target_semaphore(%run_scoped3A : memref<!tpu.dma_semaphore, #tpu.memory_space<semaphore_mem>>)
        %dma_wait3A_120 = tpu.memref_slice %arg3[%add3A_73] : memref<819200xi32, #tpu.memory_space<hbm>> -> memref<160xi32, #tpu.memory_space<hbm>>
        %dma_wait3A_121 = tpu.memref_slice %arg3[%add3A_73] : memref<819200xi32, #tpu.memory_space<hbm>> -> memref<160xi32, #tpu.memory_space<hbm>>
        tpu.wait_dma2 semaphore(%run_scoped3A : memref<!tpu.dma_semaphore, #tpu.memory_space<semaphore_mem>>) src(%dma_wait3A_121 : memref<160xi32, #tpu.memory_space<hbm>>) dst(%arg8 : memref<160xi32, #tpu.memory_space<vmem>>)
        tpu.yield
      }) : () -> ()
      %dma_start3A_74 = arith.constant 0 : i32
      %dma_start3A_75 = arith.constant 0 : i32
      %dma_start3A_76 = tpu.memref_slice %arg2[%dma_start3A_74, %dma_start3A_75] : memref<100000x128xf32, #tpu.memory_space<hbm>> -> memref<100000x128xf32, #tpu.memory_space<hbm>>
      tpu.enqueue_indirect_dma source(%dma_start3A_76 : memref<100000x128xf32, #tpu.memory_space<hbm>>) target(%arg12 : memref<160x128xf32, #tpu.memory_space<vmem>>) offsets(%arg8 : memref<160xi32, #tpu.memory_space<vmem>>) semaphore(%arg16 : memref<!tpu.dma_semaphore, #tpu.memory_space<semaphore_mem>>)
      %add3A_77 = arith.constant 2 : i32
      %add3A_78 = arith.addi %mul3A_29, %add3A_77 : i32
      %dma_wait3A_79 = arith.constant 0 : i32
      %dma_wait3A_80 = arith.constant 0 : i32
      %dma_wait3A_81 = tpu.memref_slice %arg2[%dma_wait3A_79, %dma_wait3A_80] : memref<100000x128xf32, #tpu.memory_space<hbm>> -> memref<100000x128xf32, #tpu.memory_space<hbm>>
      tpu.wait_indirect_dma semaphore(%arg15 : memref<!tpu.dma_semaphore, #tpu.memory_space<semaphore_mem>>) src(%dma_wait3A_81 : memref<100000x128xf32, #tpu.memory_space<hbm>>) dst(%arg11 : memref<160x128xf32, #tpu.memory_space<vmem>>)
      %mul3A_82 = arith.constant 160 : i32
      %mul3A_83 = arith.muli %add3A_78, %mul3A_82 : i32
      %add3A_84 = arith.addi %mul3A_2, %mul3A_83 : i32
      %dma_start3A_85 = arith.constant 0 : i32
      %dma_start3A_86 = tpu.memref_slice %arg4[%add3A_84, %dma_start3A_85] : memref<819200x128xf32, #tpu.memory_space<hbm>> -> memref<160x128xf32, #tpu.memory_space<hbm>>
      %dma_start3A_87 = arith.constant 0 : i32
      %dma_start3A_88 = tpu.memref_slice %arg4[%add3A_84, %dma_start3A_87] : memref<819200x128xf32, #tpu.memory_space<hbm>> -> memref<160x128xf32, #tpu.memory_space<hbm>>
      tpu.enqueue_dma source(%arg11 : memref<160x128xf32, #tpu.memory_space<vmem>>) target(%dma_start3A_88 : memref<160x128xf32, #tpu.memory_space<hbm>>) target_semaphore(%arg19 : memref<!tpu.dma_semaphore, #tpu.memory_space<semaphore_mem>>)
      %dma_wait3A_89 = arith.constant 0 : i32
      %dma_wait3A_90 = tpu.memref_slice %arg4[%mul3A_2, %dma_wait3A_89] : memref<819200x128xf32, #tpu.memory_space<hbm>> -> memref<160x128xf32, #tpu.memory_space<hbm>>
      %dma_wait3A_91 = arith.constant 0 : i32
      %dma_wait3A_92 = tpu.memref_slice %arg4[%mul3A_2, %dma_wait3A_91] : memref<819200x128xf32, #tpu.memory_space<hbm>> -> memref<160x128xf32, #tpu.memory_space<hbm>>
      tpu.wait_dma2 semaphore(%arg17 : memref<!tpu.dma_semaphore, #tpu.memory_space<semaphore_mem>>) src(%arg9 : memref<160x128xf32, #tpu.memory_space<vmem>>) dst(%dma_wait3A_92 : memref<160x128xf32, #tpu.memory_space<hbm>>)
      %lt3A = arith.constant 39 : i32
      %lt3A_93 = arith.cmpi slt, %add3A_27, %lt3A : i32
      %convert_element_type3A_94 = arith.extui %lt3A_93 : i1 to i32
      %cond3A_95 = arith.constant 0 : i32
      %cond3A_96 = arith.cmpi ne, %convert_element_type3A_94, %cond3A_95 : i32
      scf.if %cond3A_96 {
        %add3A_118 = arith.constant 2 : i32
        %add3A_119 = arith.addi %add3A_78, %add3A_118 : i32
        %mul3A_120 = arith.constant 160 : i32
        %mul3A_121 = arith.muli %add3A_119, %mul3A_120 : i32
        %add3A_122 = arith.addi %mul3A_2, %mul3A_121 : i32
        "tpu.region"() ({
          %run_scoped3A = tpu.sem_alloc : memref<!tpu.dma_semaphore, #tpu.memory_space<semaphore_mem>>
          %dma_start3A_126 = tpu.memref_slice %arg3[%add3A_122] : memref<819200xi32, #tpu.memory_space<hbm>> -> memref<160xi32, #tpu.memory_space<hbm>>
          %dma_start3A_127 = tpu.memref_slice %arg3[%add3A_122] : memref<819200xi32, #tpu.memory_space<hbm>> -> memref<160xi32, #tpu.memory_space<hbm>>
          tpu.enqueue_dma source(%dma_start3A_127 : memref<160xi32, #tpu.memory_space<hbm>>) target(%arg5 : memref<160xi32, #tpu.memory_space<vmem>>) target_semaphore(%run_scoped3A : memref<!tpu.dma_semaphore, #tpu.memory_space<semaphore_mem>>)
          %dma_wait3A_128 = tpu.memref_slice %arg3[%add3A_122] : memref<819200xi32, #tpu.memory_space<hbm>> -> memref<160xi32, #tpu.memory_space<hbm>>
          %dma_wait3A_129 = tpu.memref_slice %arg3[%add3A_122] : memref<819200xi32, #tpu.memory_space<hbm>> -> memref<160xi32, #tpu.memory_space<hbm>>
          tpu.wait_dma2 semaphore(%run_scoped3A : memref<!tpu.dma_semaphore, #tpu.memory_space<semaphore_mem>>) src(%dma_wait3A_129 : memref<160xi32, #tpu.memory_space<hbm>>) dst(%arg5 : memref<160xi32, #tpu.memory_space<vmem>>)
          tpu.yield
        }) : () -> ()
        %dma_start3A_123 = arith.constant 0 : i32
        %dma_start3A_124 = arith.constant 0 : i32
        %dma_start3A_125 = tpu.memref_slice %arg2[%dma_start3A_123, %dma_start3A_124] : memref<100000x128xf32, #tpu.memory_space<hbm>> -> memref<100000x128xf32, #tpu.memory_space<hbm>>
        tpu.enqueue_indirect_dma source(%dma_start3A_125 : memref<100000x128xf32, #tpu.memory_space<hbm>>) target(%arg9 : memref<160x128xf32, #tpu.memory_space<vmem>>) offsets(%arg5 : memref<160xi32, #tpu.memory_space<vmem>>) semaphore(%arg13 : memref<!tpu.dma_semaphore, #tpu.memory_space<semaphore_mem>>)
      } else {
      }
      %add3A_97 = arith.constant 3 : i32
      %add3A_98 = arith.addi %mul3A_29, %add3A_97 : i32
      %dma_wait3A_99 = arith.constant 0 : i32
      %dma_wait3A_100 = arith.constant 0 : i32
      %dma_wait3A_101 = tpu.memref_slice %arg2[%dma_wait3A_99, %dma_wait3A_100] : memref<100000x128xf32, #tpu.memory_space<hbm>> -> memref<100000x128xf32, #tpu.memory_space<hbm>>
      tpu.wait_indirect_dma semaphore(%arg16 : memref<!tpu.dma_semaphore, #tpu.memory_space<semaphore_mem>>) src(%dma_wait3A_101 : memref<100000x128xf32, #tpu.memory_space<hbm>>) dst(%arg12 : memref<160x128xf32, #tpu.memory_space<vmem>>)
      %mul3A_102 = arith.constant 160 : i32
      %mul3A_103 = arith.muli %add3A_98, %mul3A_102 : i32
      %add3A_104 = arith.addi %mul3A_2, %mul3A_103 : i32
      %dma_start3A_105 = arith.constant 0 : i32
      %dma_start3A_106 = tpu.memref_slice %arg4[%add3A_104, %dma_start3A_105] : memref<819200x128xf32, #tpu.memory_space<hbm>> -> memref<160x128xf32, #tpu.memory_space<hbm>>
      %dma_start3A_107 = arith.constant 0 : i32
      %dma_start3A_108 = tpu.memref_slice %arg4[%add3A_104, %dma_start3A_107] : memref<819200x128xf32, #tpu.memory_space<hbm>> -> memref<160x128xf32, #tpu.memory_space<hbm>>
      tpu.enqueue_dma source(%arg12 : memref<160x128xf32, #tpu.memory_space<vmem>>) target(%dma_start3A_108 : memref<160x128xf32, #tpu.memory_space<hbm>>) target_semaphore(%arg20 : memref<!tpu.dma_semaphore, #tpu.memory_space<semaphore_mem>>)
      %dma_wait3A_109 = arith.constant 0 : i32
      %dma_wait3A_110 = tpu.memref_slice %arg4[%mul3A_2, %dma_wait3A_109] : memref<819200x128xf32, #tpu.memory_space<hbm>> -> memref<160x128xf32, #tpu.memory_space<hbm>>
      %dma_wait3A_111 = arith.constant 0 : i32
      %dma_wait3A_112 = tpu.memref_slice %arg4[%mul3A_2, %dma_wait3A_111] : memref<819200x128xf32, #tpu.memory_space<hbm>> -> memref<160x128xf32, #tpu.memory_space<hbm>>
      tpu.wait_dma2 semaphore(%arg18 : memref<!tpu.dma_semaphore, #tpu.memory_space<semaphore_mem>>) src(%arg10 : memref<160x128xf32, #tpu.memory_space<vmem>>) dst(%dma_wait3A_112 : memref<160x128xf32, #tpu.memory_space<hbm>>)
      %lt3A_113 = arith.constant 39 : i32
      %lt3A_114 = arith.cmpi slt, %add3A_27, %lt3A_113 : i32
      %convert_element_type3A_115 = arith.extui %lt3A_114 : i1 to i32
      %cond3A_116 = arith.constant 0 : i32
      %cond3A_117 = arith.cmpi ne, %convert_element_type3A_115, %cond3A_116 : i32
      scf.if %cond3A_117 {
        %add3A_118 = arith.constant 2 : i32
        %add3A_119 = arith.addi %add3A_98, %add3A_118 : i32
        %mul3A_120 = arith.constant 160 : i32
        %mul3A_121 = arith.muli %add3A_119, %mul3A_120 : i32
        %add3A_122 = arith.addi %mul3A_2, %mul3A_121 : i32
        "tpu.region"() ({
          %run_scoped3A = tpu.sem_alloc : memref<!tpu.dma_semaphore, #tpu.memory_space<semaphore_mem>>
          %dma_start3A_126 = tpu.memref_slice %arg3[%add3A_122] : memref<819200xi32, #tpu.memory_space<hbm>> -> memref<160xi32, #tpu.memory_space<hbm>>
          %dma_start3A_127 = tpu.memref_slice %arg3[%add3A_122] : memref<819200xi32, #tpu.memory_space<hbm>> -> memref<160xi32, #tpu.memory_space<hbm>>
          tpu.enqueue_dma source(%dma_start3A_127 : memref<160xi32, #tpu.memory_space<hbm>>) target(%arg6 : memref<160xi32, #tpu.memory_space<vmem>>) target_semaphore(%run_scoped3A : memref<!tpu.dma_semaphore, #tpu.memory_space<semaphore_mem>>)
          %dma_wait3A_128 = tpu.memref_slice %arg3[%add3A_122] : memref<819200xi32, #tpu.memory_space<hbm>> -> memref<160xi32, #tpu.memory_space<hbm>>
          %dma_wait3A_129 = tpu.memref_slice %arg3[%add3A_122] : memref<819200xi32, #tpu.memory_space<hbm>> -> memref<160xi32, #tpu.memory_space<hbm>>
          tpu.wait_dma2 semaphore(%run_scoped3A : memref<!tpu.dma_semaphore, #tpu.memory_space<semaphore_mem>>) src(%dma_wait3A_129 : memref<160xi32, #tpu.memory_space<hbm>>) dst(%arg6 : memref<160xi32, #tpu.memory_space<vmem>>)
          tpu.yield
        }) : () -> ()
        %dma_start3A_123 = arith.constant 0 : i32
        %dma_start3A_124 = arith.constant 0 : i32
        %dma_start3A_125 = tpu.memref_slice %arg2[%dma_start3A_123, %dma_start3A_124] : memref<100000x128xf32, #tpu.memory_space<hbm>> -> memref<100000x128xf32, #tpu.memory_space<hbm>>
        tpu.enqueue_indirect_dma source(%dma_start3A_125 : memref<100000x128xf32, #tpu.memory_space<hbm>>) target(%arg10 : memref<160x128xf32, #tpu.memory_space<vmem>>) offsets(%arg6 : memref<160xi32, #tpu.memory_space<vmem>>) semaphore(%arg14 : memref<!tpu.dma_semaphore, #tpu.memory_space<semaphore_mem>>)
      } else {
      }
    }
    %scan3A_15 = arith.constant 40 : i32
    %dma_wait3A = arith.constant 0 : i32
    %dma_wait3A_16 = tpu.memref_slice %arg4[%mul3A_2, %dma_wait3A] : memref<819200x128xf32, #tpu.memory_space<hbm>> -> memref<160x128xf32, #tpu.memory_space<hbm>>
    %dma_wait3A_17 = arith.constant 0 : i32
    %dma_wait3A_18 = tpu.memref_slice %arg4[%mul3A_2, %dma_wait3A_17] : memref<819200x128xf32, #tpu.memory_space<hbm>> -> memref<160x128xf32, #tpu.memory_space<hbm>>
    tpu.wait_dma2 semaphore(%arg19 : memref<!tpu.dma_semaphore, #tpu.memory_space<semaphore_mem>>) src(%arg11 : memref<160x128xf32, #tpu.memory_space<vmem>>) dst(%dma_wait3A_18 : memref<160x128xf32, #tpu.memory_space<hbm>>)
    %dma_wait3A_19 = arith.constant 0 : i32
    %dma_wait3A_20 = tpu.memref_slice %arg4[%mul3A_2, %dma_wait3A_19] : memref<819200x128xf32, #tpu.memory_space<hbm>> -> memref<160x128xf32, #tpu.memory_space<hbm>>
    %dma_wait3A_21 = arith.constant 0 : i32
    %dma_wait3A_22 = tpu.memref_slice %arg4[%mul3A_2, %dma_wait3A_21] : memref<819200x128xf32, #tpu.memory_space<hbm>> -> memref<160x128xf32, #tpu.memory_space<hbm>>
    tpu.wait_dma2 semaphore(%arg20 : memref<!tpu.dma_semaphore, #tpu.memory_space<semaphore_mem>>) src(%arg12 : memref<160x128xf32, #tpu.memory_space<vmem>>) dst(%dma_wait3A_22 : memref<160x128xf32, #tpu.memory_space<hbm>>)
    return
  }
}

</mosaic_0001>

<sc_bundles>
// kernel: kernel.3.cloned.1.call-start
scs
__scs_entry_jumppad:
0x0: {  	(pc) =	sbr.rel $0x88, $3  }
0x1: {  	(tag) =	ssettag $0x0;
	lr =	simm.s32 $0x1  }
0x2: {  	[smem:$0x3F9F] =	sst lr;
	_ =	strace $0xD0000000  }
0x3: {  	_ = 	snop  }
0x4: {  	_ = 	snop  }
0x5: {  	_ = 	snop  }
0x6: {  	_ = 	snop  }
0x7: {  	_ = 	snop  }
__scs_overlays_trampoline_lowered:
0x8: {  	[smem:$0x3FAE] =	sst s0  }
0x9: {  	[smem:$0x3FAF] =	sst s1  }
0xa: {  	[smem:$0x3FB0] =	sst s2  }
0xb: {  	[smem:$0x3FB1] =	sst s3  }
0xc: {  	[smem:$0x3FB2] =	sst s4  }
0xd: {  	[smem:$0x3FB3] =	sst s5  }
0xe: {  	[smem:$0x3FB4] =	sst s6  }
0xf: {  	[smem:$0x3FB5] =	sst s7  }
0x10: {  	[smem:$0x3FB6] =	sst s8  }
0x11: {  	[smem:$0x3FB7] =	sst s9;
	s0 =	simm.s32 @!p0 $0x0  }
0x12: {  	s1 =	sld [smem:$0x3F9D];
	s0 =	simm.s32 @p0 $0x1  }
0x13: {  	[smem:$0x3FB8] =	sst s0;
	s0 =	simm.s32 @!p1 $0x0  }
0x14: {  	s2 =	sld [smem:$0x3F9C];
	s0 =	simm.s32 @p1 $0x1  }
0x15: {  	[smem:$0x3FB9] =	sst s0;
	s0 =	simm.s32 @!p2 $0x0  }
0x16: {  	s3 =	sld [smem:$0x3FDB];
	s0 =	simm.s32 @p2 $0x1  }
0x17: {  	s4 =	simm.s32 $0x1BF5;
	[smem:$0x3FBB] =	sst s0  }
0x18: {  	s0 =	sld [smem:$0x3F9E];
	_ =	swait.ge [sflag:s4], $0x0  }
0x19: {  	s7 =	sld [smem:$0x3F9F]  }
0x1a: {  	s8 =	sadd.s32 $0xFFFFE003, lr  }
0x1b: {  	s9 =	sadd.s32 $0xFFFFFEF7, lr;
	s5 =	simm.s32 $0xFFFFFFFF;
	p2 =	slt.u32 s8, $0xFFFFF086  }
0x1c: {  	p1 =	slt.u32 s9, $0xF7A;
	s5 =	simm.s32 @!p2 $0x0  }
0x1d: {  	s5 =	simm.s32 @p1 $0x1;
	p0 =	seq.s32 s7, s2  }
0x1e: {  	s7 =	smul.u32 @!p0 $0xF7A, s2;
	p2 =	seq.s32 @!p0 s5, $0x0  }
0x1f: {  	s9 =	smul.u32 $0xF7A, s1;
	s8 =	simm.s32 @!p0 $0x1BF5;
	p2 =	por !p2, p0  }
0x20: {  	[sflag:s8] =	ssyncset.s32 @!p0 $0xFFFFF086;
	s6 =	sadd.s32 @!p0 s3, s7;
	s7 =	simm.s32 @!p0 $0x108  }
0x21: {  	s3 =	sadd.s32 s3, s9;
	s6 =	sadd.s32 @!p0 $0x88, s6;
	s7 =	simm.s32 @p2 $0x1082  }
0x22: {  	[simem:s7], [sflag:s8] =	dma.local @!p0 [hbm:s6], $0xF7A  }
0x23: {  	s9 =	sor.u32 $0xD0000000, s2;
	s6 =	simm.s32 $0x108;
	_ =	swait.ge @!p0 [sflag:s8], $0x0  }
0x24: {  	s3 =	sadd.s32 $0x88, s3;
	s6 =	simm.s32 @!p1 $0x1082;
	[sflag:s4] =	ssyncset.s32 $0xFFFFF086  }
0x25: {  	[simem:s6], [sflag:s4] =	dma.local [hbm:s3], $0xF7A  }
0x26: {  	[smem:$0x3F9F] =	sst s1;
	(tag) =	ssettag s2;
	_ =	strace s9  }
0x27: {  	s1 =	sld [smem:$0x3FAF]  }
0x28: {  	s2 =	sld [smem:$0x3FB0]  }
0x29: {  	s4 =	sld [smem:$0x3FB2]  }
0x2a: {  	p0 =	seq.s32 s5, $0x0;
	s5 =	sld [smem:$0x3FB3]  }
0x2b: {  	s6 =	sld [smem:$0x3FB4]  }
0x2c: {  	s7 =	sld [smem:$0x3FB5]  }
0x2d: {  	s3 =	simm.s32 $0x108;
	s8 =	sld [smem:$0x3FB6]  }
0x2e: {  	s3 =	simm.s32 @!p0 $0x1082;
	s9 =	sld [smem:$0x3FB7]  }
0x2f: {  	lr =	sadd.s32 s0, s3;
	s0 =	sld [smem:$0x3FAE]  }
0x30: {  	s3 =	sld [smem:$0x3FB1]  }
0x31: {  	[smem:$0x3FBA] =	sst s10  }
0x32: {  	s10 =	sld [smem:$0x3FB8];
	_ =	sdelay $0x3  }
0x33: {  	p0 =	seq.s32 s10, $0x1;
	s10 =	sld [smem:$0x3FBA];
	_ =	sdelay $0x3  }
0x34: {  	[smem:$0x3FBA] =	sst s10  }
0x35: {  	s10 =	sld [smem:$0x3FB9];
	_ =	sdelay $0x3  }
0x36: {  	p1 =	seq.s32 s10, $0x1;
	s10 =	sld [smem:$0x3FBA];
	_ =	sdelay $0x3  }
0x37: {  	[smem:$0x3FBA] =	sst s10  }
0x38: {  	s10 =	sld [smem:$0x3FBB]  }
0x39: {  	_ = 	snop;
	(pc) =	sbr.ind lr, $3  }
0x3a: {  	_ = 	snop  }
0x3b: {  	_ = 	snop  }
0x3c: {  	p2 =	seq.s32 s10, $0x1;
	s10 =	sld [smem:$0x3FBA]  }
0x3d: {  	_ =	shalt  }
0x3e: {  	_ =	shalt  }
0x3f: {  	_ =	shalt  }
0x40: {  	_ =	shalt  }
0x41: {  	_ =	shalt  }
0x42: {  	_ =	shalt  }
0x43: {  	_ =	shalt  }
0x44: {  	_ =	shalt  }
0x45: {  	_ =	shalt  }
0x46: {  	_ =	shalt  }
0x47: {  	_ =	shalt  }
0x48: {  	_ =	shalt  }
0x49: {  	_ =	shalt  }
0x4a: {  	_ =	shalt  }
0x4b: {  	_ =	shalt  }
0x4c: {  	_ =	shalt  }
0x4d: {  	_ =	shalt  }
0x4e: {  	_ =	shalt  }
0x4f: {  	_ =	shalt  }
0x50: {  	_ =	shalt  }
0x51: {  	_ =	shalt  }
0x52: {  	_ =	shalt  }
0x53: {  	_ =	shalt  }
0x54: {  	_ =	shalt  }
0x55: {  	_ =	shalt  }
0x56: {  	_ =	shalt  }
0x57: {  	_ =	shalt  }
0x58: {  	_ =	shalt  }
0x59: {  	_ =	shalt  }
0x5a: {  	_ =	shalt  }
0x5b: {  	_ =	shalt  }
0x5c: {  	_ =	shalt  }
0x5d: {  	_ =	shalt  }
0x5e: {  	_ =	shalt  }
0x5f: {  	_ =	shalt  }
0x60: {  	_ =	shalt  }
0x61: {  	_ =	shalt  }
0x62: {  	_ =	shalt  }
0x63: {  	_ =	shalt  }
0x64: {  	_ =	shalt  }
0x65: {  	_ =	shalt  }
0x66: {  	_ =	shalt  }
0x67: {  	_ =	shalt  }
0x68: {  	_ =	shalt  }
0x69: {  	_ =	shalt  }
0x6a: {  	_ =	shalt  }
0x6b: {  	_ =	shalt  }
0x6c: {  	_ =	shalt  }
0x6d: {  	_ =	shalt  }
0x6e: {  	_ =	shalt  }
0x6f: {  	_ =	shalt  }
0x70: {  	_ =	shalt  }
0x71: {  	_ =	shalt  }
0x72: {  	_ =	shalt  }
0x73: {  	_ =	shalt  }
0x74: {  	_ =	shalt  }
0x75: {  	_ =	shalt  }
0x76: {  	_ =	shalt  }
0x77: {  	_ =	shalt  }
0x78: {  	_ =	shalt  }
0x79: {  	_ =	shalt  }
0x7a: {  	_ =	shalt  }
0x7b: {  	_ =	shalt  }
0x7c: {  	_ =	shalt  }
0x7d: {  	_ =	shalt  }
0x7e: {  	_ =	shalt  }
0x7f: {  	_ =	shalt  }
0x80: {  	_ =	shalt  }
0x81: {  	_ =	shalt  }
0x82: {  	_ =	shalt  }
0x83: {  	_ =	shalt  }
0x84: {  	_ =	shalt  }
0x85: {  	_ =	shalt  }
0x86: {  	_ =	shalt  }
0x87: {  	_ =	shalt  }
.Lfunc_end0:
.L_simem_size_0:
called_computation_lowered:
.L_overlay_start_0:
0x88: {  	s2 =	sld [smem:$0x3FD9]  }
0x89: {  	s3 =	sld [smem:$0x3FFE];
	_ =	sdelay $0x1  }
0x8a: {  	s1 =	srdreg.scid  }
0x8b: {  	s0 =	sand.u32 $0x1, s1  }
0x8c: {  	s17 =	sshll.u32 s0, $0xA;
	s2 =	sadd.s32 s3, s2  }
0x8d: {  	s2 =	sadd.s32 s2, s17  }
0x8e: {  	[smem:$0x3FC6] =	sst s2  }
0x8f: {  	_ = 	snop  }
0x90: {  	s2 =	sld [smem:$0x3FC8]  }
0x91: {  	s18 =	sld [smem:$0x3FD0];
	(tm) =	ssettm $0x1  }
0x92: {  	s4 =	sld [smem:$0x3FFB];
	_ =	sdelay $0x3  }
0x93: {  	_ =	strace s4  }
0x94: {  	s4 =	sld [smem:$0x3FFC];
	_ =	sdelay $0x3  }
0x95: {  	_ =	strace s4  }
0x96: {  	s4 =	sld [smem:$0x3FFD];
	_ =	sdelay $0x3  }
0x97: {  	_ =	strace s4  }
0x98: {  	_ =	strace $0x8FFFFFFF  }
0x99: {  	s19 =	sld [smem:$0x3FDB];
	_ =	sdelay $0x1  }
0x9a: {  	s5 =	simm.s32 $_scs_section_size  }
0x9b: {  	s6 =	simm.s32 $_size__tile_overlayer_lowered;
	s7 =	simm.s32 $_tile_overlayer_lowered  }
0x9c: {  	s22 =	simm.s32 $0x1BFF;
	s21 =	sshll.u32 s7, $0x1;
	s4 =	sadd.s32 s5, s19  }
0x9d: {  	s8 =	simm.s32 $0x0;
	s20 =	sshll.u32 s6, $0x1;
	s6 =	sadd.s32 s21, s4  }
0x9e: {  	[timem:s8], [sflag:s22] =	dma.local [hbm:s6], s20  }
0x9f: {  	_ =	swait.ge [sflag:s22], s20  }
0xa0: {  	s5 =	ssub.s32 $0x0, s20;
	[sflag:s22] =	ssyncset.done $0x0  }
0xa1: {  	[sflag:s22] =	ssyncadd.s32 s5;
	_ =	sdelay $0x1  }
0xa2: {  	s23 =	simm.s32 $0x1B8B  }
0xa3: {  	_ =	swait.ge [sflag:s23], $0x1  }
0xa4: {  	[sflag:s23] =	ssyncset.done $0x0  }
0xa5: {  	s25 =	simm.s32 $0x1B8E;
	s24 =	sld [smem:$0x3FFE];
	[sflag:s23] =	ssyncadd.s32 $0xFFFFFFFF  }
0xa6: {  	s26 =	simm.s32 $execute0_lowered;
	[smem:$0x3FD2] =	sst s25  }
0xa7: {  	s6 =	sshll.u32 s26, $0x1;
	_ =	strace $0x80000046;
	[dreg:$0x1] =	wrdreg $0xFFFFFFFF  }
0xa8: {  	s28 =	simm.s32 $_size_execute0_lowered;
	s4 =	sadd.s32 s4, s6;
	[dreg:$0x0] =	wrdreg $0x0  }
0xa9: {  	s6 =	sshll.u32 s28, $0x1;
	[dreg:$0x2] =	wrdreg s4  }
0xaa: {  	[dreg:$0x3] =	wrdreg s6  }
0xab: {  	[dreg:$0x4] =	wrdreg $0xC0  }
0xac: {  	_ =	task [dreg:s8], $0x5FFFF  }
0xad: {  	[dreg:$0x1] =	wrdreg $0xFFFFFFFF  }
0xae: {  	[dreg:$0x0] =	wrdreg $0x60  }
0xaf: {  	[dreg:$0x2] =	wrdreg s2  }
0xb0: {  	[dreg:$0x3] =	wrdreg s24  }
0xb1: {  	[dreg:$0x4] =	wrdreg s18  }
0xb2: {  	[dreg:$0x5] =	wrdreg $0x9  }
0xb3: {  	_ =	task.clear_ibuf [dreg:s8], $0x6FFFF;
	_ =	strace $0x90000046  }
0xb4: {  	s29 =	simm.s32 $0x9;
	_ =	strace $0x80000048  }
0xb5: {  	_ =	swait.ge [sflag:s29], $0x1  }
0xb6: {  	[sflag:s29] =	ssyncadd.s32 $0xFFFFFFFF  }
0xb7: {  	_ =	strace $0x90000048  }
0xb8: {  	_ =	sfence  }
0xb9: {  	s30 =	sld [smem:$0x0];
	_ =	sdelay $0x2  }
0xba: {  	s31 =	sshll.u32 s1, $0xD;
	s1 =	sshrl.u32 s1, $0x2  }
0xbb: {  	s3 =	sand.u32 $0x4000, s31;
	s1 =	sadd.s32 s1, s30  }
0xbc: {  	s0 =	sor.u32 s3, s0;
	s1 =	sshll.u32 s1, $0x11  }
0xbd: {  	s0 =	sor.u32 s1, s0  }
0xbe: {  	s0 =	sadd.s32 $0x8F2B, s0  }
0xbf: {  	[sflag:s0] =	ssyncadd.remote.s32 $0x1  }
0xc0: {  	_ =	sfence.sel $0xFFFF  }
0xc1: {  	[dreg:$0x0] =	wrdreg $0xFFFFFFFF;
	(pc) =	sbr.abs _section_cstart, $3  }
0xc2: {  	[dreg:$0x1] =	wrdreg $0xFFFFFFFF  }
0xc3: {  	_ =	task.clear_ibuf [dreg:s8], $0x2FFFF;
	_ =	strace $0x9FFFFFFF  }
0xc4: {  	(tm) =	ssettm $0x7FFFFFFF  }
0xc5: {  	_ =	shalt  }
tec
execute0_lowered:
.L_overlay_start_1:
0x0: {  	(tag) =	ssettag $0x1  }
0x1: {  	s1 =	rddreg [dreg:$0x0];
	s2 =	srdreg.scid  }
0x2: {  	s0 =	stileid.u32;
	s4 =	rddreg [dreg:$0x1]  }
0x3: {  	s9 =	rddreg [dreg:$0x2];
	s14 =	simm.s32 $0x400;
	s15 =	simm.s32 $0x100  }
0x4: {  	s16 =	simm.s32 $0x5400;
	s17 =	simm.s32 $0x1;
	s18 =	simm.s32 $0x200  }
0x5: {  	s19 =	simm.s32 $0xA400;
	s20 =	simm.s32 $0x2;
	s21 =	simm.s32 $0x300  }
0x6: {  	s28 =	simm.s32 $0x7;
	s29 =	simm.s32 $0x8;
	s6 =	smul.u32 $0xC800, s0  }
0x7: {  	s2 =	sand.u32 $0x1, s2;
	s3 =	sshll.u32 s0, $0x1;
	s12 =	smul.u32 $0xC8000, s0  }
0x8: {  	s30 =	simm.s32 $0x0;
	s5 =	sor.u32 s2, s3;
	s8 =	smul.u32 $0x6400, s2  }
0x9: {  	s3 =	simm.s32 $0x0;
	s7 =	ssub.s32 $0x2, s2;
	s2 =	smul.u32 $0x64000, s2  }
0xa: {  	s11 =	sadd.s32 $0x400, s4;
	s5 =	smul.u32 $0x6400, s5;
	[smem:$0x7FF] =	sst s3  }
0xb: {  	s23 =	sshrl.u32 s7, $0x1;
	s9 =	sadd.s32 s12, s9;
	_ =	strace $0x80000047  }
0xc: {  	s7 =	ssub.s32 s7, s23;
	s10 =	sadd.s32 s8, s6;
	s2 =	sadd.s32 s2, s9  }
0xd: {  	s23 =	simm.s32 $0x3;
	s22 =	sshrl.u32 s5, $0x3;
	s25 =	smax.u32 s7, $0x1  }
0xe: {  	s26 =	sor.u32 $0x320, s10;
	s8 =	sor.u32 $0x280, s10;
	s31 =	sor.u32 $0x1E0, s10  }
0xf: {  	s10 =	sor.u32 $0x140, s10;
	s9 =	sadd.s32 $0x1E00, s2;
	s4 =	sadd.s32 s11, s22  }
0x10: {  	[dreg:$0x5] =	wrdreg s25;
	s7 =	sshrl.u32 s26, $0x3;
	s8 =	sshrl.u32 s8, $0x3  }
.Ltmp0:
0x11: {  	s12 =	sshrl.u32 s31, $0x3;
	s13 =	sshrl.u32 s10, $0x3;
	(pc) =	sbr.rel .LBB2_1-.Ltmp0, $4  }
0x12: {  	s22 =	simm.s32 $0xF400;
	s25 =	simm.s32 $0x4;
	s26 =	simm.s32 $0x6  }
0x13: {  	s24 =	sadd.s32 $0x14, s4;
	s7 =	sadd.s32 s7, s11;
	s8 =	sadd.s32 s8, s11  }
0x14: {  	s10 =	sadd.s32 s12, s11;
	s11 =	sadd.s32 s13, s11;
	s12 =	simm.s32 $0x9  }
0x15: {  	s13 =	simm.s32 $0xA0;
	[dreg:$0x4] =	wrdreg s24;
	s24 =	simm.s32 $0x5  }
.LBB2_4:
0x16: {  	_ =	swait.ge [sflag:s28], $0x5000  }
0x17: {  	[sflag:s28] =	ssyncset.done $0x0  }
0x18: {  	[sflag:s28] =	ssyncadd.s32 $0xFFFFB000  }
0x19: {  	_ =	swait.ge [sflag:s29], $0x5000  }
0x1a: {  	s30 =	sadd.s32 $0x1, s30;
	s0 =	rddreg [dreg:$0x5]  }
0x1b: {  	p0 =	sne.s32 s30, s0  }
.Ltmp1:
0x1c: {  	_ = 	snop;
	(pc) =	sbr.rel @!p0 .LBB2_5-.Ltmp1, $3  }
0x1d: {  	_ =	sdelay $0x1  }
0x1e: {  	[sflag:s29] =	ssyncset.done $0x0  }
0x1f: {  	[sflag:s29] =	ssyncadd.s32 $0xFFFFB000  }
.LBB2_1:
0x20: {  	[tilespmem:s3], [sflag:$0x9] =	stream.linear.gather [hbm4b:s4+s3], $0xA0, $0x38;
	[tilespmem:$0x14400] =	vst v63  }
0x21: {  	_ =	swait.ge [sflag:s12], $0xA0  }
0x22: {  	[sflag:s12] =	ssyncset.done $0x0  }
0x23: {  	[sflag:s12] =	ssyncadd.s32 $0xFFFFFF60  }
0x24: {  	[tilespmem:s14], [sflag:$0x1] =	stream.indirect.gather [hbm4b:s1+s13], $0x80, s3, s13, $0xb8;
	[tilespmem:$0x14400] =	vst v63  }
0x25: {  	s0 =	rddreg [dreg:$0x4]  }
0x26: {  	[tilespmem:s15], [sflag:$0x9] =	stream.linear.gather [hbm4b:s0+s3], $0xA0, $0x38;
	[tilespmem:$0x14400] =	vst v63  }
0x27: {  	_ =	swait.ge [sflag:s12], $0xA0  }
0x28: {  	[sflag:s12] =	ssyncset.done $0x0  }
0x29: {  	s31 =	smov.u32 s9;
	s2 =	simm.s32 $0x0;
	[sflag:s12] =	ssyncadd.s32 $0xFFFFFF60  }
0x2a: {  	[tilespmem:s16], [sflag:$0x2] =	stream.indirect.gather [hbm4b:s1+s13], $0x80, s15, s13, $0xb8;
	[tilespmem:$0x14400] =	vst v63  }
.LBB2_2:
0x2b: {  	_ =	swait.ge [sflag:s17], $0x5000  }
0x2c: {  	[sflag:s17] =	ssyncset.done $0x0  }
0x2d: {  	s0 =	sadd.s32 $0xFFFFE200, s31;
	p0 =	seq.s32 s2, $0x0;
	[sflag:s17] =	ssyncadd.s32 $0xFFFFB000  }
0x2e: {  	[hbm4b:s0+s3] =	stream.linear.scatter [tilespmem:s14], [sflag:$0x5], $0x5000, $0x38;
	[tilespmem:$0x14400] =	vst v63  }
0x2f: {  	s0 =	simm.s32 @!p0 $0x7  }
0x30: {  	_ =	swait.ge @!p0 [sflag:s0], $0x5000  }
0x31: {  	[sflag:s0] =	ssyncset.done @!p0 $0x0  }
0x32: {  	s5 =	sadd.s32 s2, s11;
	[sflag:s0] =	ssyncadd.s32 @!p0 $0xFFFFB000  }
0x33: {  	[tilespmem:s18], [sflag:$0x9] =	stream.linear.gather [hbm4b:s5+s3], $0xA0, $0x38;
	[tilespmem:$0x14400] =	vst v63  }
0x34: {  	_ =	swait.ge [sflag:s12], $0xA0  }
0x35: {  	[sflag:s12] =	ssyncset.done $0x0  }
0x36: {  	[sflag:s12] =	ssyncadd.s32 $0xFFFFFF60  }
0x37: {  	[tilespmem:s19], [sflag:$0x3] =	stream.indirect.gather [hbm4b:s1+s13], $0x80, s18, s13, $0xb8;
	[tilespmem:$0x14400] =	vst v63  }
0x38: {  	_ =	swait.ge [sflag:s20], $0x5000  }
0x39: {  	[sflag:s20] =	ssyncset.done $0x0  }
0x3a: {  	s6 =	sadd.s32 $0xFFFFEC00, s31;
	s0 =	simm.s32 @!p0 $0x8;
	[sflag:s20] =	ssyncadd.s32 $0xFFFFB000  }
0x3b: {  	[hbm4b:s6+s3] =	stream.linear.scatter [tilespmem:s16], [sflag:$0x6], $0x5000, $0x38;
	[tilespmem:$0x14400] =	vst v63  }
0x3c: {  	_ =	swait.ge @!p0 [sflag:s0], $0x5000  }
0x3d: {  	[sflag:s0] =	ssyncset.done @!p0 $0x0  }
0x3e: {  	s5 =	sadd.s32 s2, s10;
	[sflag:s0] =	ssyncadd.s32 @!p0 $0xFFFFB000  }
0x3f: {  	[tilespmem:s21], [sflag:$0x9] =	stream.linear.gather [hbm4b:s5+s3], $0xA0, $0x38;
	[tilespmem:$0x14400] =	vst v63  }
0x40: {  	_ =	swait.ge [sflag:s12], $0xA0  }
0x41: {  	[sflag:s12] =	ssyncset.done $0x0  }
0x42: {  	[sflag:s12] =	ssyncadd.s32 $0xFFFFFF60  }
0x43: {  	[tilespmem:s22], [sflag:$0x4] =	stream.indirect.gather [hbm4b:s1+s13], $0x80, s21, s13, $0xb8;
	[tilespmem:$0x14400] =	vst v63  }
0x44: {  	_ =	swait.ge [sflag:s23], $0x5000  }
0x45: {  	[sflag:s23] =	ssyncset.done $0x0  }
0x46: {  	s6 =	sadd.s32 $0xFFFFF600, s31;
	[sflag:s23] =	ssyncadd.s32 $0xFFFFB000  }
0x47: {  	[hbm4b:s6+s3] =	stream.linear.scatter [tilespmem:s19], [sflag:$0x7], $0x5000, $0x38;
	[tilespmem:$0x14400] =	vst v63  }
0x48: {  	_ =	swait.ge [sflag:s24], $0x5000  }
0x49: {  	p0 =	seq.s32 s2, $0xC30;
	[sflag:s24] =	ssyncset.done $0x0  }
0x4a: {  	s0 =	sadd.s32 @!p0 s2, s8;
	s5 =	simm.s32 @!p0 $0x0;
	[sflag:s24] =	ssyncadd.s32 $0xFFFFB000  }
0x4b: {  	[tilespmem:s5], [sflag:$0x9] =	stream.linear.gather @!p0 [hbm4b:s0+s5], $0xA0, $0x38;
	[tilespmem:$0x14400] =	vst v63  }
0x4c: {  	s0 =	simm.s32 @!p0 $0x9  }
0x4d: {  	_ =	swait.ge @!p0 [sflag:s0], $0xA0  }
0x4e: {  	[sflag:s0] =	ssyncset.done @!p0 $0x0  }
0x4f: {  	s6 =	simm.s32 @!p0 $0x400;
	[sflag:s0] =	ssyncadd.s32 @!p0 $0xFFFFFF60;
	s0 =	simm.s32 @!p0 $0xA0  }
0x50: {  	[tilespmem:s6], [sflag:$0x1] =	stream.indirect.gather @!p0 [hbm4b:s1+s0], $0x80, s5, s0, $0xb8;
	[tilespmem:$0x14400] =	vst v63  }
0x51: {  	_ =	swait.ge [sflag:s25], $0x5000  }
0x52: {  	[sflag:s25] =	ssyncset.done $0x0  }
.Ltmp2:
0x53: {  	[sflag:s25] =	ssyncadd.s32 $0xFFFFB000;
	(pc) =	sbr.rel @p0 .LBB2_4-.Ltmp2, $4  }
0x54: {  	[hbm4b:s31+s3] =	stream.linear.scatter [tilespmem:s22], [sflag:$0x8], $0x5000, $0x38;
	[tilespmem:$0x14400] =	vst v63  }
0x55: {  	_ =	swait.ge [sflag:s26], $0x5000  }
0x56: {  	[sflag:s26] =	ssyncset.done $0x0  }
0x57: {  	[sflag:s26] =	ssyncadd.s32 $0xFFFFB000  }
0x58: {  	s0 =	sadd.s32 s2, s7  }
0x59: {  	[tilespmem:s15], [sflag:$0x9] =	stream.linear.gather [hbm4b:s0+s3], $0xA0, $0x38;
	[tilespmem:$0x14400] =	vst v63  }
.Ltmp3:
0x5a: {  	_ = 	snop;
	(pc) =	sbr.rel .LBB2_2-.Ltmp3, $4  }
0x5b: {  	_ =	swait.ge [sflag:s12], $0xA0  }
0x5c: {  	[sflag:s12] =	ssyncset.done $0x0  }
0x5d: {  	s2 =	sadd.s32 $0x50, s2;
	s31 =	sadd.s32 $0x2800, s31;
	[sflag:s12] =	ssyncadd.s32 $0xFFFFFF60  }
0x5e: {  	[tilespmem:s16], [sflag:$0x2] =	stream.indirect.gather [hbm4b:s1+s13], $0x80, s15, s13, $0xb8;
	[tilespmem:$0x14400] =	vst v63  }
.LBB2_5:
0x5f: {  	_ =	sfence.sel $0x180000  }
0x60: {  	[bflag:$0x0] =	sbarrier.arrive $0xFFFF  }
0x61: {  	_ =	strace $0x90000047  }
0x62: {  	s0 =	stileid.u32;
	[bflag:$0x2] =	sbarrier.arrive $0xFFFF  }
0x63: {  	p0 =	sne.s32 s0, $0x0;
	s0 =	rddreg [dreg:$0x3]  }
0x64: {  	s0 =	sadd.s32 @!p0 $0x100000, s0  }
0x65: {  	[sflag:s0] =	ssyncadd.tile.s32 @!p0 $0x1;
	_ =	shalt  }
.Lfunc_end2:
_tile_overlayer_lowered:
.L_overlay_start_2:
0x66: {  	(tag) =	ssettag $0x2  }
0x67: {  	s0 =	rddreg [dreg:$0x0];
	s2 =	stileid.u32  }
0x68: {  	s1 =	rddreg [dreg:$0x1];
	p0 =	sne.s32 s2, $0x0  }
0x69: {  	s3 =	rddreg [dreg:$0x2];
	[bflag:$0x3] =	sbarrier.arrive $0xFFFF;
	s2 =	simm.s32 @!p0 $0x1C09  }
0x6a: {  	[timem:s3], [sflag:s2] =	dma.local @!p0 [hbm:s0], s1  }
0x6b: {  	s0 =	simm.s32 @!p0 $0x9  }
0x6c: {  	_ =	swait.ge @!p0 [sflag:s0], s1  }
0x6d: {  	s1 =	ssub.s32 @!p0 $0x0, s1;
	[sflag:s0] =	ssyncset.done @!p0 $0x0  }
0x6e: {  	[sflag:s0] =	ssyncadd.s32 @!p0 s1  }
0x6f: {  	[bflag:$0x3] =	sbarrier.arrive $0xFFFF  }
0x70: {  	_ =	shalt  }

</sc_bundles>
